<compile_context>
chip_gen: v7x
topology: tpu7x:2x2x1
jax: 0.10.2.dev20260603
libtpu: 0.0.44.dev20260713+nightly
codegen_flags: <defaults>
</compile_context>

<pallas_src>
import functools

import jax
import jax.numpy as jnp
from jax import lax
from jax.experimental import pallas as pl
from jax.experimental.pallas import tpu as pltpu
from jax.experimental.pallas import tpu_sc as plsc

_N = 32768
_D = 512
_ROWS_BLK = 2048
_NBLK = _N // _ROWS_BLK
_LANES = 16
_BIG = 2 ** 30


def _mv_body(x_ref, w_ref, vx_ref, ix_ref, vn_ref, in_ref):
    i = pl.program_id(0)
    d = jnp.dot(x_ref[...], w_ref[...], preferred_element_type=jnp.float32)
    ri = lax.broadcasted_iota(jnp.int32, (_ROWS_BLK, 1), 0)
    big = jnp.int32(_BIG)
    bmax = jnp.max(d)
    bmin = jnp.min(d)
    vx_ref[i] = bmax
    ix_ref[i] = jnp.min(jnp.where(d == bmax, ri, big)) + i * _ROWS_BLK
    vn_ref[i] = bmin
    in_ref[i] = jnp.min(jnp.where(d == bmin, ri, big)) + i * _ROWS_BLK


def _mv_candidates(feats, w_col):
    sd = jax.ShapeDtypeStruct
    return pl.pallas_call(
        _mv_body,
        grid=(_NBLK,),
        in_specs=[
            pl.BlockSpec((_ROWS_BLK, _D), lambda i: (i, 0)),
            pl.BlockSpec((_D, 1), lambda i: (0, 0)),
        ],
        out_specs=[pl.BlockSpec(memory_space=pltpu.SMEM)] * 4,
        out_shape=[sd((_LANES,), jnp.float32), sd((_LANES,), jnp.int32),
                   sd((_LANES,), jnp.float32), sd((_LANES,), jnp.int32)],
        compiler_params=pltpu.CompilerParams(
            dimension_semantics=("arbitrary",)),
    )(feats, w_col)


_mesh = plsc.VectorSubcoreMesh(core_axis_name="c", subcore_axis_name="s")


@functools.partial(
    pl.kernel,
    mesh=_mesh,
    out_type=jax.ShapeDtypeStruct((2, _D), jnp.float32),
    scratch_types=[
        pltpu.VMEM((_LANES,), jnp.float32),
        pltpu.VMEM((_LANES,), jnp.int32),
        pltpu.VMEM((_LANES,), jnp.float32),
        pltpu.VMEM((_LANES,), jnp.int32),
        pltpu.VMEM((_LANES,), jnp.int32),
        pltpu.VMEM((_LANES, _D), jnp.float32),
        pltpu.SemaphoreType.DMA,
    ],
    compiler_params=pltpu.CompilerParams(needs_layout_passes=False),
)
def _sc_select(vx_hbm, ix_hbm, vn_hbm, in_hbm, feats_hbm, out_hbm,
               vx_v, ix_v, vn_v, in_v, gidx, rows, sem):
    cid = lax.axis_index("c")
    sid = lax.axis_index("s")

    @pl.when(jnp.logical_and(cid == 0, sid == 0))
    def _():
        pltpu.sync_copy(vx_hbm, vx_v)
        pltpu.sync_copy(ix_hbm, ix_v)
        pltpu.sync_copy(vn_hbm, vn_v)
        pltpu.sync_copy(in_hbm, in_v)
        lanes = lax.iota(jnp.int32, _LANES)
        valid = lanes < _NBLK
        big = jnp.int32(_BIG)
        bvx = jnp.where(valid, vx_v[...], -jnp.inf)
        bix = jnp.where(valid, ix_v[...], big)
        bvn = jnp.where(valid, vn_v[...], jnp.inf)
        bni = jnp.where(valid, in_v[...], big)
        for s in (8, 4, 2, 1):
            perm = lanes ^ s
            vx_v[...] = bvx
            ix_v[...] = bix
            vn_v[...] = bvn
            in_v[...] = bni
            ov = plsc.load_gather(vx_v, [perm])
            oi = plsc.load_gather(ix_v, [perm])
            t = (ov > bvx) | ((ov == bvx) & (oi < bix))
            bvx = jnp.where(t, ov, bvx)
            bix = jnp.where(t, oi, bix)
            ov = plsc.load_gather(vn_v, [perm])
            oi = plsc.load_gather(in_v, [perm])
            t = (ov < bvn) | ((ov == bvn) & (oi < bni))
            bvn = jnp.where(t, ov, bvn)
            bni = jnp.where(t, oi, bni)
        gidx[...] = jnp.where(lanes == 0, bix, jnp.where(lanes == 1, bni, 0))
        pltpu.async_copy(feats_hbm.at[gidx], rows, sem).wait()
        pltpu.sync_copy(rows.at[pl.ds(0, 2)], out_hbm)


def kernel(feats, W, b):
    del b
    w_col = (W[0] - W[1]).reshape(_D, 1)
    vx, ix, vn, iN = _mv_candidates(feats, w_col)
    return _sc_select(vx, ix, vn, iN, feats)

# --- scband reference (transcript-rebuilt; emitter-appended) ---
"""Pipeline reference for scband-iqgm-16080357556252 (READ-ONLY COPY).

The authoritative reference and input builder live on the scoring server;
editing this copy changes nothing except your own understanding.
"""

import jax, jax.numpy as jnp
import numpy as np

IN_FEATURES = 512
N_CLASSES = 2
N = 32768


def setup_inputs(seed: int = 0) -> dict:
    key = jax.random.key(seed)
    k_feats, k_w, k_b = jax.random.split(key, 3)
    feats = jax.random.normal(k_feats, (N, IN_FEATURES), dtype=jnp.float32)
    # nn.Linear(in_features, n_classes): W [n_classes, in_features], b [n_classes]
    bound = 1.0 / np.sqrt(IN_FEATURES)
    W = jax.random.uniform(k_w, (N_CLASSES, IN_FEATURES), minval=-bound, maxval=bound, dtype=jnp.float32)
    b = jax.random.uniform(k_b, (N_CLASSES,), minval=-bound, maxval=bound, dtype=jnp.float32)
    return {"feats": feats, "W": W, "b": b}


def reference(feats, W, b):
    # c = F.softmax(self.fc(feats))  (softmax over class dim)
    logits = feats @ W.T + b
    c = jax.nn.softmax(logits, axis=-1)
    # _, m_indices = torch.sort(c, 0, descending=True)
    m_indices = jnp.argsort(-c, axis=0)
    # m_feats = torch.index_select(feats, 0, m_indices[0, :])
    m_feats = jnp.take(feats, m_indices[0, :], axis=0)
    return m_feats

if __name__ == "__main__":
    import jax
    _d = setup_inputs()
    print(jax.jit(kernel)(*tuple(_d.values())))

</pallas_src>

<mosaic_0001>
#map = affine_map<(d0, d1) -> (0)>
#map1 = affine_map<(d0, d1) -> (0, 0)>
module attributes {stable_mosaic.version = 14 : i64} {
  func.func @_sc_select(%arg0: i32, %arg1: i32, %arg2: memref<16xf32, #tpu.memory_space<hbm>>, %arg3: memref<16xi32, #tpu.memory_space<hbm>>, %arg4: memref<16xf32, #tpu.memory_space<hbm>>, %arg5: memref<16xi32, #tpu.memory_space<hbm>>, %arg6: memref<32768x512xf32, #tpu.memory_space<hbm>>, %arg7: memref<2x512xf32, #tpu.memory_space<hbm>>, %arg8: memref<16xf32, #tpu.memory_space<vmem>>, %arg9: memref<16xi32, #tpu.memory_space<vmem>>, %arg10: memref<16xf32, #tpu.memory_space<vmem>>, %arg11: memref<16xi32, #tpu.memory_space<vmem>>, %arg12: memref<16xi32, #tpu.memory_space<vmem>>, %arg13: memref<16x512xf32, #tpu.memory_space<vmem>>, %arg14: memref<!tpu.dma_semaphore, #tpu.memory_space<semaphore_mem>>) attributes {dimension_semantics = [#tpu.dimension_semantics<core_parallel>, #tpu.dimension_semantics<subcore_parallel>], iteration_bounds = array<i64: 2, 16>, scalar_prefetch = 0 : i64, scratch_operands = 7 : i64, tpu.core_type = #tpu.core_type<sc_vector_subcore>, window_params = [{transform_indices = #map}, {transform_indices = #map}, {transform_indices = #map}, {transform_indices = #map}, {transform_indices = #map1}, {transform_indices = #map1}]} {
    %eq3A = arith.constant 0 : i32
    %eq3A_0 = arith.cmpi eq, %arg0, %eq3A : i32
    %eq3A_1 = arith.constant 0 : i32
    %eq3A_2 = arith.cmpi eq, %arg1, %eq3A_1 : i32
    %and3A = arith.andi %eq3A_0, %eq3A_2 : i1
    %convert_element_type3A = arith.extui %and3A : i1 to i32
    %cond3A = arith.constant 0 : i32
    %cond3A_3 = arith.cmpi ne, %convert_element_type3A, %cond3A : i32
    scf.if %cond3A_3 {
      "tpu.region"() ({
        %run_scoped3A = tpu.sem_alloc : memref<!tpu.dma_semaphore, #tpu.memory_space<semaphore_mem>>
        tpu.enqueue_dma source(%arg2 : memref<16xf32, #tpu.memory_space<hbm>>) target(%arg8 : memref<16xf32, #tpu.memory_space<vmem>>) target_semaphore(%run_scoped3A : memref<!tpu.dma_semaphore, #tpu.memory_space<semaphore_mem>>)
        tpu.wait_dma2 semaphore(%run_scoped3A : memref<!tpu.dma_semaphore, #tpu.memory_space<semaphore_mem>>) src(%arg2 : memref<16xf32, #tpu.memory_space<hbm>>) dst(%arg8 : memref<16xf32, #tpu.memory_space<vmem>>)
        tpu.yield
      }) : () -> ()
      "tpu.region"() ({
        %run_scoped3A = tpu.sem_alloc : memref<!tpu.dma_semaphore, #tpu.memory_space<semaphore_mem>>
        tpu.enqueue_dma source(%arg3 : memref<16xi32, #tpu.memory_space<hbm>>) target(%arg9 : memref<16xi32, #tpu.memory_space<vmem>>) target_semaphore(%run_scoped3A : memref<!tpu.dma_semaphore, #tpu.memory_space<semaphore_mem>>)
        tpu.wait_dma2 semaphore(%run_scoped3A : memref<!tpu.dma_semaphore, #tpu.memory_space<semaphore_mem>>) src(%arg3 : memref<16xi32, #tpu.memory_space<hbm>>) dst(%arg9 : memref<16xi32, #tpu.memory_space<vmem>>)
        tpu.yield
      }) : () -> ()
      "tpu.region"() ({
        %run_scoped3A = tpu.sem_alloc : memref<!tpu.dma_semaphore, #tpu.memory_space<semaphore_mem>>
        tpu.enqueue_dma source(%arg4 : memref<16xf32, #tpu.memory_space<hbm>>) target(%arg10 : memref<16xf32, #tpu.memory_space<vmem>>) target_semaphore(%run_scoped3A : memref<!tpu.dma_semaphore, #tpu.memory_space<semaphore_mem>>)
        tpu.wait_dma2 semaphore(%run_scoped3A : memref<!tpu.dma_semaphore, #tpu.memory_space<semaphore_mem>>) src(%arg4 : memref<16xf32, #tpu.memory_space<hbm>>) dst(%arg10 : memref<16xf32, #tpu.memory_space<vmem>>)
        tpu.yield
      }) : () -> ()
      "tpu.region"() ({
        %run_scoped3A = tpu.sem_alloc : memref<!tpu.dma_semaphore, #tpu.memory_space<semaphore_mem>>
        tpu.enqueue_dma source(%arg5 : memref<16xi32, #tpu.memory_space<hbm>>) target(%arg11 : memref<16xi32, #tpu.memory_space<vmem>>) target_semaphore(%run_scoped3A : memref<!tpu.dma_semaphore, #tpu.memory_space<semaphore_mem>>)
        tpu.wait_dma2 semaphore(%run_scoped3A : memref<!tpu.dma_semaphore, #tpu.memory_space<semaphore_mem>>) src(%arg5 : memref<16xi32, #tpu.memory_space<hbm>>) dst(%arg11 : memref<16xi32, #tpu.memory_space<vmem>>)
        tpu.yield
      }) : () -> ()
      %iota3A = tpu.iota {dimensions = array<i32: 0>} : vector<16xi32>
      %lt3A = arith.constant 16 : i32
      %lt3A_4 = vector.broadcast %lt3A : i32 to vector<16xi32>
      %lt3A_5 = arith.cmpi slt, %iota3A, %lt3A_4 : vector<16xi32>
      %get3A = arith.constant 0 : index
      %get3A_6 = tpu.vector_load %arg8[%get3A] {strides = array<i32>} : memref<16xf32, #tpu.memory_space<vmem>>, vector<16xf32>,
      %jit3A = arith.constant 0xFF800000 : f32
      %broadcast_in_dim3A = vector.broadcast %jit3A : f32 to vector<16xf32>
      %select_n3A = arith.select %lt3A_5, %get3A_6, %broadcast_in_dim3A : vector<16xi1>, vector<16xf32>
      %get3A_7 = arith.constant 0 : index
      %get3A_8 = tpu.vector_load %arg9[%get3A_7] {strides = array<i32>} : memref<16xi32, #tpu.memory_space<vmem>>, vector<16xi32>,
      %jit3A_9 = arith.constant 1073741824 : i32
      %broadcast_in_dim3A_10 = vector.broadcast %jit3A_9 : i32 to vector<16xi32>
      %select_n3A_11 = arith.select %lt3A_5, %get3A_8, %broadcast_in_dim3A_10 : vector<16xi1>, vector<16xi32>
      %get3A_12 = arith.constant 0 : index
      %get3A_13 = tpu.vector_load %arg10[%get3A_12] {strides = array<i32>} : memref<16xf32, #tpu.memory_space<vmem>>, vector<16xf32>,
      %jit3A_14 = arith.constant 0x7F800000 : f32
      %broadcast_in_dim3A_15 = vector.broadcast %jit3A_14 : f32 to vector<16xf32>
      %select_n3A_16 = arith.select %lt3A_5, %get3A_13, %broadcast_in_dim3A_15 : vector<16xi1>, vector<16xf32>
      %get3A_17 = arith.constant 0 : index
      %get3A_18 = tpu.vector_load %arg11[%get3A_17] {strides = array<i32>} : memref<16xi32, #tpu.memory_space<vmem>>, vector<16xi32>,
      %jit3A_19 = arith.constant 1073741824 : i32
      %broadcast_in_dim3A_20 = vector.broadcast %jit3A_19 : i32 to vector<16xi32>
      %select_n3A_21 = arith.select %lt3A_5, %get3A_18, %broadcast_in_dim3A_20 : vector<16xi1>, vector<16xi32>
      %xor3A = arith.constant 8 : i32
      %xor3A_22 = vector.broadcast %xor3A : i32 to vector<16xi32>
      %xor3A_23 = arith.xori %iota3A, %xor3A_22 : vector<16xi32>
      %swap3A = arith.constant 0 : index
      %swap3A_24 = tpu.vector_load %arg8[%swap3A] {strides = array<i32>} : memref<16xf32, #tpu.memory_space<vmem>>, vector<16xf32>,
      tpu.vector_store %arg8[%swap3A], %select_n3A {strides = array<i32>} : memref<16xf32, #tpu.memory_space<vmem>>, vector<16xf32>,
      %swap3A_25 = arith.constant 0 : index
      %swap3A_26 = tpu.vector_load %arg9[%swap3A_25] {strides = array<i32>} : memref<16xi32, #tpu.memory_space<vmem>>, vector<16xi32>,
      tpu.vector_store %arg9[%swap3A_25], %select_n3A_11 {strides = array<i32>} : memref<16xi32, #tpu.memory_space<vmem>>, vector<16xi32>,
      %swap3A_27 = arith.constant 0 : index
      %swap3A_28 = tpu.vector_load %arg10[%swap3A_27] {strides = array<i32>} : memref<16xf32, #tpu.memory_space<vmem>>, vector<16xf32>,
      tpu.vector_store %arg10[%swap3A_27], %select_n3A_16 {strides = array<i32>} : memref<16xf32, #tpu.memory_space<vmem>>, vector<16xf32>,
      %swap3A_29 = arith.constant 0 : index
      %swap3A_30 = tpu.vector_load %arg11[%swap3A_29] {strides = array<i32>} : memref<16xi32, #tpu.memory_space<vmem>>, vector<16xi32>,
      tpu.vector_store %arg11[%swap3A_29], %select_n3A_21 {strides = array<i32>} : memref<16xi32, #tpu.memory_space<vmem>>, vector<16xi32>,
      %gather3A = tpu.vector_load_idx %arg8[%xor3A_23] : memref<16xf32, #tpu.memory_space<vmem>>[vector<16xi32>], vector<16xf32>,
      %gather3A_31 = tpu.vector_load_idx %arg9[%xor3A_23] : memref<16xi32, #tpu.memory_space<vmem>>[vector<16xi32>], vector<16xi32>,
      %gt3A = arith.cmpf ogt, %gather3A, %select_n3A : vector<16xf32>
      %eq3A_32 = arith.cmpf oeq, %gather3A, %select_n3A : vector<16xf32>
      %lt3A_33 = arith.cmpi slt, %gather3A_31, %select_n3A_11 : vector<16xi32>
      %and3A_34 = arith.andi %eq3A_32, %lt3A_33 : vector<16xi1>
      %or3A = arith.ori %gt3A, %and3A_34 : vector<16xi1>
      %select_n3A_35 = arith.select %or3A, %gather3A, %select_n3A : vector<16xi1>, vector<16xf32>
      %select_n3A_36 = arith.select %or3A, %gather3A_31, %select_n3A_11 : vector<16xi1>, vector<16xi32>
      %gather3A_37 = tpu.vector_load_idx %arg10[%xor3A_23] : memref<16xf32, #tpu.memory_space<vmem>>[vector<16xi32>], vector<16xf32>,
      %gather3A_38 = tpu.vector_load_idx %arg11[%xor3A_23] : memref<16xi32, #tpu.memory_space<vmem>>[vector<16xi32>], vector<16xi32>,
      %lt3A_39 = arith.cmpf olt, %gather3A_37, %select_n3A_16 : vector<16xf32>
      %eq3A_40 = arith.cmpf oeq, %gather3A_37, %select_n3A_16 : vector<16xf32>
      %lt3A_41 = arith.cmpi slt, %gather3A_38, %select_n3A_21 : vector<16xi32>
      %and3A_42 = arith.andi %eq3A_40, %lt3A_41 : vector<16xi1>
      %or3A_43 = arith.ori %lt3A_39, %and3A_42 : vector<16xi1>
      %select_n3A_44 = arith.select %or3A_43, %gather3A_37, %select_n3A_16 : vector<16xi1>, vector<16xf32>
      %select_n3A_45 = arith.select %or3A_43, %gather3A_38, %select_n3A_21 : vector<16xi1>, vector<16xi32>
      %xor3A_46 = arith.constant 4 : i32
      %xor3A_47 = vector.broadcast %xor3A_46 : i32 to vector<16xi32>
      %xor3A_48 = arith.xori %iota3A, %xor3A_47 : vector<16xi32>
      %swap3A_49 = arith.constant 0 : index
      %swap3A_50 = tpu.vector_load %arg8[%swap3A_49] {strides = array<i32>} : memref<16xf32, #tpu.memory_space<vmem>>, vector<16xf32>,
      tpu.vector_store %arg8[%swap3A_49], %select_n3A_35 {strides = array<i32>} : memref<16xf32, #tpu.memory_space<vmem>>, vector<16xf32>,
      %swap3A_51 = arith.constant 0 : index
      %swap3A_52 = tpu.vector_load %arg9[%swap3A_51] {strides = array<i32>} : memref<16xi32, #tpu.memory_space<vmem>>, vector<16xi32>,
      tpu.vector_store %arg9[%swap3A_51], %select_n3A_36 {strides = array<i32>} : memref<16xi32, #tpu.memory_space<vmem>>, vector<16xi32>,
      %swap3A_53 = arith.constant 0 : index
      %swap3A_54 = tpu.vector_load %arg10[%swap3A_53] {strides = array<i32>} : memref<16xf32, #tpu.memory_space<vmem>>, vector<16xf32>,
      tpu.vector_store %arg10[%swap3A_53], %select_n3A_44 {strides = array<i32>} : memref<16xf32, #tpu.memory_space<vmem>>, vector<16xf32>,
      %swap3A_55 = arith.constant 0 : index
      %swap3A_56 = tpu.vector_load %arg11[%swap3A_55] {strides = array<i32>} : memref<16xi32, #tpu.memory_space<vmem>>, vector<16xi32>,
      tpu.vector_store %arg11[%swap3A_55], %select_n3A_45 {strides = array<i32>} : memref<16xi32, #tpu.memory_space<vmem>>, vector<16xi32>,
      %gather3A_57 = tpu.vector_load_idx %arg8[%xor3A_48] : memref<16xf32, #tpu.memory_space<vmem>>[vector<16xi32>], vector<16xf32>,
      %gather3A_58 = tpu.vector_load_idx %arg9[%xor3A_48] : memref<16xi32, #tpu.memory_space<vmem>>[vector<16xi32>], vector<16xi32>,
      %gt3A_59 = arith.cmpf ogt, %gather3A_57, %select_n3A_35 : vector<16xf32>
      %eq3A_60 = arith.cmpf oeq, %gather3A_57, %select_n3A_35 : vector<16xf32>
      %lt3A_61 = arith.cmpi slt, %gather3A_58, %select_n3A_36 : vector<16xi32>
      %and3A_62 = arith.andi %eq3A_60, %lt3A_61 : vector<16xi1>
      %or3A_63 = arith.ori %gt3A_59, %and3A_62 : vector<16xi1>
      %select_n3A_64 = arith.select %or3A_63, %gather3A_57, %select_n3A_35 : vector<16xi1>, vector<16xf32>
      %select_n3A_65 = arith.select %or3A_63, %gather3A_58, %select_n3A_36 : vector<16xi1>, vector<16xi32>
      %gather3A_66 = tpu.vector_load_idx %arg10[%xor3A_48] : memref<16xf32, #tpu.memory_space<vmem>>[vector<16xi32>], vector<16xf32>,
      %gather3A_67 = tpu.vector_load_idx %arg11[%xor3A_48] : memref<16xi32, #tpu.memory_space<vmem>>[vector<16xi32>], vector<16xi32>,
      %lt3A_68 = arith.cmpf olt, %gather3A_66, %select_n3A_44 : vector<16xf32>
      %eq3A_69 = arith.cmpf oeq, %gather3A_66, %select_n3A_44 : vector<16xf32>
      %lt3A_70 = arith.cmpi slt, %gather3A_67, %select_n3A_45 : vector<16xi32>
      %and3A_71 = arith.andi %eq3A_69, %lt3A_70 : vector<16xi1>
      %or3A_72 = arith.ori %lt3A_68, %and3A_71 : vector<16xi1>
      %select_n3A_73 = arith.select %or3A_72, %gather3A_66, %select_n3A_44 : vector<16xi1>, vector<16xf32>
      %select_n3A_74 = arith.select %or3A_72, %gather3A_67, %select_n3A_45 : vector<16xi1>, vector<16xi32>
      %xor3A_75 = arith.constant 2 : i32
      %xor3A_76 = vector.broadcast %xor3A_75 : i32 to vector<16xi32>
      %xor3A_77 = arith.xori %iota3A, %xor3A_76 : vector<16xi32>
      %swap3A_78 = arith.constant 0 : index
      %swap3A_79 = tpu.vector_load %arg8[%swap3A_78] {strides = array<i32>} : memref<16xf32, #tpu.memory_space<vmem>>, vector<16xf32>,
      tpu.vector_store %arg8[%swap3A_78], %select_n3A_64 {strides = array<i32>} : memref<16xf32, #tpu.memory_space<vmem>>, vector<16xf32>,
      %swap3A_80 = arith.constant 0 : index
      %swap3A_81 = tpu.vector_load %arg9[%swap3A_80] {strides = array<i32>} : memref<16xi32, #tpu.memory_space<vmem>>, vector<16xi32>,
      tpu.vector_store %arg9[%swap3A_80], %select_n3A_65 {strides = array<i32>} : memref<16xi32, #tpu.memory_space<vmem>>, vector<16xi32>,
      %swap3A_82 = arith.constant 0 : index
      %swap3A_83 = tpu.vector_load %arg10[%swap3A_82] {strides = array<i32>} : memref<16xf32, #tpu.memory_space<vmem>>, vector<16xf32>,
      tpu.vector_store %arg10[%swap3A_82], %select_n3A_73 {strides = array<i32>} : memref<16xf32, #tpu.memory_space<vmem>>, vector<16xf32>,
      %swap3A_84 = arith.constant 0 : index
      %swap3A_85 = tpu.vector_load %arg11[%swap3A_84] {strides = array<i32>} : memref<16xi32, #tpu.memory_space<vmem>>, vector<16xi32>,
      tpu.vector_store %arg11[%swap3A_84], %select_n3A_74 {strides = array<i32>} : memref<16xi32, #tpu.memory_space<vmem>>, vector<16xi32>,
      %gather3A_86 = tpu.vector_load_idx %arg8[%xor3A_77] : memref<16xf32, #tpu.memory_space<vmem>>[vector<16xi32>], vector<16xf32>,
      %gather3A_87 = tpu.vector_load_idx %arg9[%xor3A_77] : memref<16xi32, #tpu.memory_space<vmem>>[vector<16xi32>], vector<16xi32>,
      %gt3A_88 = arith.cmpf ogt, %gather3A_86, %select_n3A_64 : vector<16xf32>
      %eq3A_89 = arith.cmpf oeq, %gather3A_86, %select_n3A_64 : vector<16xf32>
      %lt3A_90 = arith.cmpi slt, %gather3A_87, %select_n3A_65 : vector<16xi32>
      %and3A_91 = arith.andi %eq3A_89, %lt3A_90 : vector<16xi1>
      %or3A_92 = arith.ori %gt3A_88, %and3A_91 : vector<16xi1>
      %select_n3A_93 = arith.select %or3A_92, %gather3A_86, %select_n3A_64 : vector<16xi1>, vector<16xf32>
      %select_n3A_94 = arith.select %or3A_92, %gather3A_87, %select_n3A_65 : vector<16xi1>, vector<16xi32>
      %gather3A_95 = tpu.vector_load_idx %arg10[%xor3A_77] : memref<16xf32, #tpu.memory_space<vmem>>[vector<16xi32>], vector<16xf32>,
      %gather3A_96 = tpu.vector_load_idx %arg11[%xor3A_77] : memref<16xi32, #tpu.memory_space<vmem>>[vector<16xi32>], vector<16xi32>,
      %lt3A_97 = arith.cmpf olt, %gather3A_95, %select_n3A_73 : vector<16xf32>
      %eq3A_98 = arith.cmpf oeq, %gather3A_95, %select_n3A_73 : vector<16xf32>
      %lt3A_99 = arith.cmpi slt, %gather3A_96, %select_n3A_74 : vector<16xi32>
      %and3A_100 = arith.andi %eq3A_98, %lt3A_99 : vector<16xi1>
      %or3A_101 = arith.ori %lt3A_97, %and3A_100 : vector<16xi1>
      %select_n3A_102 = arith.select %or3A_101, %gather3A_95, %select_n3A_73 : vector<16xi1>, vector<16xf32>
      %select_n3A_103 = arith.select %or3A_101, %gather3A_96, %select_n3A_74 : vector<16xi1>, vector<16xi32>
      %xor3A_104 = arith.constant 1 : i32
      %xor3A_105 = vector.broadcast %xor3A_104 : i32 to vector<16xi32>
      %xor3A_106 = arith.xori %iota3A, %xor3A_105 : vector<16xi32>
      %swap3A_107 = arith.constant 0 : index
      %swap3A_108 = tpu.vector_load %arg8[%swap3A_107] {strides = array<i32>} : memref<16xf32, #tpu.memory_space<vmem>>, vector<16xf32>,
      tpu.vector_store %arg8[%swap3A_107], %select_n3A_93 {strides = array<i32>} : memref<16xf32, #tpu.memory_space<vmem>>, vector<16xf32>,
      %swap3A_109 = arith.constant 0 : index
      %swap3A_110 = tpu.vector_load %arg9[%swap3A_109] {strides = array<i32>} : memref<16xi32, #tpu.memory_space<vmem>>, vector<16xi32>,
      tpu.vector_store %arg9[%swap3A_109], %select_n3A_94 {strides = array<i32>} : memref<16xi32, #tpu.memory_space<vmem>>, vector<16xi32>,
      %swap3A_111 = arith.constant 0 : index
      %swap3A_112 = tpu.vector_load %arg10[%swap3A_111] {strides = array<i32>} : memref<16xf32, #tpu.memory_space<vmem>>, vector<16xf32>,
      tpu.vector_store %arg10[%swap3A_111], %select_n3A_102 {strides = array<i32>} : memref<16xf32, #tpu.memory_space<vmem>>, vector<16xf32>,
      %swap3A_113 = arith.constant 0 : index
      %swap3A_114 = tpu.vector_load %arg11[%swap3A_113] {strides = array<i32>} : memref<16xi32, #tpu.memory_space<vmem>>, vector<16xi32>,
      tpu.vector_store %arg11[%swap3A_113], %select_n3A_103 {strides = array<i32>} : memref<16xi32, #tpu.memory_space<vmem>>, vector<16xi32>,
      %gather3A_115 = tpu.vector_load_idx %arg8[%xor3A_106] : memref<16xf32, #tpu.memory_space<vmem>>[vector<16xi32>], vector<16xf32>,
      %gather3A_116 = tpu.vector_load_idx %arg9[%xor3A_106] : memref<16xi32, #tpu.memory_space<vmem>>[vector<16xi32>], vector<16xi32>,
      %gt3A_117 = arith.cmpf ogt, %gather3A_115, %select_n3A_93 : vector<16xf32>
      %eq3A_118 = arith.cmpf oeq, %gather3A_115, %select_n3A_93 : vector<16xf32>
      %lt3A_119 = arith.cmpi slt, %gather3A_116, %select_n3A_94 : vector<16xi32>
      %and3A_120 = arith.andi %eq3A_118, %lt3A_119 : vector<16xi1>
      %or3A_121 = arith.ori %gt3A_117, %and3A_120 : vector<16xi1>
      %select_n3A_122 = arith.select %or3A_121, %gather3A_115, %select_n3A_93 : vector<16xi1>, vector<16xf32>
      %select_n3A_123 = arith.select %or3A_121, %gather3A_116, %select_n3A_94 : vector<16xi1>, vector<16xi32>
      %gather3A_124 = tpu.vector_load_idx %arg10[%xor3A_106] : memref<16xf32, #tpu.memory_space<vmem>>[vector<16xi32>], vector<16xf32>,
      %gather3A_125 = tpu.vector_load_idx %arg11[%xor3A_106] : memref<16xi32, #tpu.memory_space<vmem>>[vector<16xi32>], vector<16xi32>,
      %lt3A_126 = arith.cmpf olt, %gather3A_124, %select_n3A_102 : vector<16xf32>
      %eq3A_127 = arith.cmpf oeq, %gather3A_124, %select_n3A_102 : vector<16xf32>
      %lt3A_128 = arith.cmpi slt, %gather3A_125, %select_n3A_103 : vector<16xi32>
      %and3A_129 = arith.andi %eq3A_127, %lt3A_128 : vector<16xi1>
      %or3A_130 = arith.ori %lt3A_126, %and3A_129 : vector<16xi1>
      %select_n3A_131 = arith.select %or3A_130, %gather3A_124, %select_n3A_102 : vector<16xi1>, vector<16xf32>
      %select_n3A_132 = arith.select %or3A_130, %gather3A_125, %select_n3A_103 : vector<16xi1>, vector<16xi32>
      %eq3A_133 = arith.constant 0 : i32
      %eq3A_134 = vector.broadcast %eq3A_133 : i32 to vector<16xi32>
      %eq3A_135 = arith.cmpi eq, %iota3A, %eq3A_134 : vector<16xi32>
      %eq3A_136 = arith.constant 1 : i32
      %eq3A_137 = vector.broadcast %eq3A_136 : i32 to vector<16xi32>
      %eq3A_138 = arith.cmpi eq, %iota3A, %eq3A_137 : vector<16xi32>
      %jit3A_139 = arith.constant 0 : i32
      %broadcast_in_dim3A_140 = vector.broadcast %jit3A_139 : i32 to vector<16xi32>
      %select_n3A_141 = arith.select %eq3A_138, %select_n3A_132, %broadcast_in_dim3A_140 : vector<16xi1>, vector<16xi32>
      %select_n3A_142 = arith.select %eq3A_135, %select_n3A_123, %select_n3A_141 : vector<16xi1>, vector<16xi32>
      %swap3A_143 = arith.constant 0 : index
      %swap3A_144 = tpu.vector_load %arg12[%swap3A_143] {strides = array<i32>} : memref<16xi32, #tpu.memory_space<vmem>>, vector<16xi32>,
      tpu.vector_store %arg12[%swap3A_143], %select_n3A_142 {strides = array<i32>} : memref<16xi32, #tpu.memory_space<vmem>>, vector<16xi32>,
      %dma_start3A = arith.constant 0 : i32
      %dma_start3A_145 = arith.constant 0 : i32
      %dma_start3A_146 = tpu.memref_slice %arg6[%dma_start3A, %dma_start3A_145] : memref<32768x512xf32, #tpu.memory_space<hbm>> -> memref<32768x512xf32, #tpu.memory_space<hbm>>
      tpu.enqueue_indirect_dma source(%dma_start3A_146 : memref<32768x512xf32, #tpu.memory_space<hbm>>) target(%arg13 : memref<16x512xf32, #tpu.memory_space<vmem>>) offsets(%arg12 : memref<16xi32, #tpu.memory_space<vmem>>) semaphore(%arg14 : memref<!tpu.dma_semaphore, #tpu.memory_space<semaphore_mem>>)
      %dma_wait3A = arith.constant 0 : i32
      %dma_wait3A_147 = arith.constant 0 : i32
      %dma_wait3A_148 = tpu.memref_slice %arg6[%dma_wait3A, %dma_wait3A_147] : memref<32768x512xf32, #tpu.memory_space<hbm>> -> memref<32768x512xf32, #tpu.memory_space<hbm>>
      tpu.wait_indirect_dma semaphore(%arg14 : memref<!tpu.dma_semaphore, #tpu.memory_space<semaphore_mem>>) src(%dma_wait3A_148 : memref<32768x512xf32, #tpu.memory_space<hbm>>) dst(%arg13 : memref<16x512xf32, #tpu.memory_space<vmem>>)
      "tpu.region"() ({
        %run_scoped3A = tpu.sem_alloc : memref<!tpu.dma_semaphore, #tpu.memory_space<semaphore_mem>>
        %dma_start3A_149 = arith.constant 0 : i32
        %dma_start3A_150 = arith.constant 0 : i32
        %dma_start3A_151 = tpu.memref_slice %arg13[%dma_start3A_149, %dma_start3A_150] : memref<16x512xf32, #tpu.memory_space<vmem>> -> memref<2x512xf32, #tpu.memory_space<vmem>>
        %dma_start3A_152 = arith.constant 0 : i32
        %dma_start3A_153 = arith.constant 0 : i32
        %dma_start3A_154 = tpu.memref_slice %arg13[%dma_start3A_152, %dma_start3A_153] : memref<16x512xf32, #tpu.memory_space<vmem>> -> memref<2x512xf32, #tpu.memory_space<vmem>>
        tpu.enqueue_dma source(%dma_start3A_154 : memref<2x512xf32, #tpu.memory_space<vmem>>) target(%arg7 : memref<2x512xf32, #tpu.memory_space<hbm>>) target_semaphore(%run_scoped3A : memref<!tpu.dma_semaphore, #tpu.memory_space<semaphore_mem>>)
        %dma_wait3A_155 = arith.constant 0 : i32
        %dma_wait3A_156 = arith.constant 0 : i32
        %dma_wait3A_157 = tpu.memref_slice %arg13[%dma_wait3A_155, %dma_wait3A_156] : memref<16x512xf32, #tpu.memory_space<vmem>> -> memref<2x512xf32, #tpu.memory_space<vmem>>
        %dma_wait3A_158 = arith.constant 0 : i32
        %dma_wait3A_159 = arith.constant 0 : i32
        %dma_wait3A_160 = tpu.memref_slice %arg13[%dma_wait3A_158, %dma_wait3A_159] : memref<16x512xf32, #tpu.memory_space<vmem>> -> memref<2x512xf32, #tpu.memory_space<vmem>>
        tpu.wait_dma2 semaphore(%run_scoped3A : memref<!tpu.dma_semaphore, #tpu.memory_space<semaphore_mem>>) src(%dma_wait3A_160 : memref<2x512xf32, #tpu.memory_space<vmem>>) dst(%arg7 : memref<2x512xf32, #tpu.memory_space<hbm>>)
        tpu.yield
      }) : () -> ()
    } else {
    }
    return
  }
}

module attributes {stable_mosaic.version = 14 : i64} {
  func.func @_mv_body(%arg0: i32, %arg1: memref<2048x512xf32, #tpu.memory_space<vmem>>, %arg2: memref<512x1xf32, #tpu.memory_space<vmem>>, %arg3: memref<16xf32, #tpu.memory_space<smem>>, %arg4: memref<16xi32, #tpu.memory_space<smem>>, %arg5: memref<16xf32, #tpu.memory_space<smem>>, %arg6: memref<16xi32, #tpu.memory_space<smem>>) attributes {dimension_semantics = [#tpu.dimension_semantics<arbitrary>], iteration_bounds = array<i64: 16>, scalar_prefetch = 0 : i64, scratch_operands = 0 : i64, tpu.core_type = #tpu.core_type<tc>, window_params = [{transform_indices = @transform_0, window_bounds = array<i64: 2048, 512>}, {pipeline_mode = #tpu.pipeline_mode<synchronous>, transform_indices = @transform_1, window_bounds = array<i64: 512, 1>}, {transform_indices = @transform_2, window_bounds = array<i64: 16>}, {transform_indices = @transform_3, window_bounds = array<i64: 16>}, {transform_indices = @transform_4, window_bounds = array<i64: 16>}, {transform_indices = @transform_5, window_bounds = array<i64: 16>}]} {
    %get3A = arith.constant 0 : index
    %get3A_0 = arith.constant 0 : index
    %get3A_1 = vector.load %arg1[%get3A, %get3A_0] : memref<2048x512xf32, #tpu.memory_space<vmem>>, vector<2048x512xf32>
    %get3A_2 = arith.constant 0 : index
    %get3A_3 = arith.constant 0 : index
    %get3A_4 = vector.load %arg2[%get3A_2, %get3A_3] : memref<512x1xf32, #tpu.memory_space<vmem>>, vector<512x1xf32>
    %dot_general3A = arith.constant dense<0.000000e+00> : vector<2048x1xf32>
    %dot_general3A_5 = tpu.matmul %get3A_1, %get3A_4, %dot_general3A {dimension_numbers = #tpu.dot_dimension_numbers<[1], [0], [0], [1], [0, 0, 1, 1], [], []>, transpose_lhs_hint = false} : vector<2048x512xf32>, vector<512x1xf32>, vector<2048x1xf32> -> vector<2048x1xf32>
    %iota3A = tpu.iota {dimensions = array<i32: 0>} : vector<2048x1xi32>
    %reduce_max3A = vector.shape_cast %dot_general3A_5 : vector<2048x1xf32> to vector<1x2048x1xf32>
    %reduce_max3A_6 = arith.constant dense<0xFF800000> : vector<1xf32>
    %reduce_max3A_7 = vector.multi_reduction <maximumf>, %reduce_max3A, %reduce_max3A_6 [1, 2] : vector<1x2048x1xf32> to vector<1xf32>
    %reduce_max3A_8 = vector.shape_cast %reduce_max3A_7 : vector<1xf32> to vector<1x1x1xf32>
    %reduce_max3A_9 = vector.extract %reduce_max3A_8[0, 0, 0] : f32 from vector<1x1x1xf32>
    %reduce_min3A = vector.shape_cast %dot_general3A_5 : vector<2048x1xf32> to vector<1x2048x1xf32>
    %reduce_min3A_10 = arith.constant dense<0x7F800000> : vector<1xf32>
    %reduce_min3A_11 = vector.multi_reduction <minimumf>, %reduce_min3A, %reduce_min3A_10 [1, 2] : vector<1x2048x1xf32> to vector<1xf32>
    %reduce_min3A_12 = vector.shape_cast %reduce_min3A_11 : vector<1xf32> to vector<1x1x1xf32>
    %reduce_min3A_13 = vector.extract %reduce_min3A_12[0, 0, 0] : f32 from vector<1x1x1xf32>
    %swap3A = arith.index_cast %arg0 : i32 to index
    %swap3A_14 = memref.load %arg3[%swap3A] : memref<16xf32, #tpu.memory_space<smem>>
    memref.store %reduce_max3A_9, %arg3[%swap3A] : memref<16xf32, #tpu.memory_space<smem>>
    %eq3A = vector.broadcast %reduce_max3A_9 : f32 to vector<2048x1xf32>
    %eq3A_15 = arith.cmpf oeq, %dot_general3A_5, %eq3A : vector<2048x1xf32>
    %jit3A = arith.constant 1073741824 : i32
    %broadcast_in_dim3A = vector.broadcast %jit3A : i32 to vector<2048x1xi32>
    %select_n3A = arith.select %eq3A_15, %iota3A, %broadcast_in_dim3A : vector<2048x1xi1>, vector<2048x1xi32>
    %reduce_min3A_16 = vector.shape_cast %select_n3A : vector<2048x1xi32> to vector<1x2048x1xi32>
    %reduce_min3A_17 = arith.constant dense<2147483647> : vector<1xi32>
    %reduce_min3A_18 = vector.multi_reduction <minsi>, %reduce_min3A_16, %reduce_min3A_17 [1, 2] : vector<1x2048x1xi32> to vector<1xi32>
    %reduce_min3A_19 = vector.shape_cast %reduce_min3A_18 : vector<1xi32> to vector<1x1x1xi32>
    %reduce_min3A_20 = vector.extract %reduce_min3A_19[0, 0, 0] : i32 from vector<1x1x1xi32>
    %mul3A = arith.constant 2048 : i32
    %mul3A_21 = arith.muli %arg0, %mul3A : i32
    %add3A = arith.addi %reduce_min3A_20, %mul3A_21 : i32
    %swap3A_22 = arith.index_cast %arg0 : i32 to index
    %swap3A_23 = memref.load %arg4[%swap3A_22] : memref<16xi32, #tpu.memory_space<smem>>
    memref.store %add3A, %arg4[%swap3A_22] : memref<16xi32, #tpu.memory_space<smem>>
    %swap3A_24 = arith.index_cast %arg0 : i32 to index
    %swap3A_25 = memref.load %arg5[%swap3A_24] : memref<16xf32, #tpu.memory_space<smem>>
    memref.store %reduce_min3A_13, %arg5[%swap3A_24] : memref<16xf32, #tpu.memory_space<smem>>
    %eq3A_26 = vector.broadcast %reduce_min3A_13 : f32 to vector<2048x1xf32>
    %eq3A_27 = arith.cmpf oeq, %dot_general3A_5, %eq3A_26 : vector<2048x1xf32>
    %jit3A_28 = arith.constant 1073741824 : i32
    %broadcast_in_dim3A_29 = vector.broadcast %jit3A_28 : i32 to vector<2048x1xi32>
    %select_n3A_30 = arith.select %eq3A_27, %iota3A, %broadcast_in_dim3A_29 : vector<2048x1xi1>, vector<2048x1xi32>
    %reduce_min3A_31 = vector.shape_cast %select_n3A_30 : vector<2048x1xi32> to vector<1x2048x1xi32>
    %reduce_min3A_32 = arith.constant dense<2147483647> : vector<1xi32>
    %reduce_min3A_33 = vector.multi_reduction <minsi>, %reduce_min3A_31, %reduce_min3A_32 [1, 2] : vector<1x2048x1xi32> to vector<1xi32>
    %reduce_min3A_34 = vector.shape_cast %reduce_min3A_33 : vector<1xi32> to vector<1x1x1xi32>
    %reduce_min3A_35 = vector.extract %reduce_min3A_34[0, 0, 0] : i32 from vector<1x1x1xi32>
    %mul3A_36 = arith.constant 2048 : i32
    %mul3A_37 = arith.muli %arg0, %mul3A_36 : i32
    %add3A_38 = arith.addi %reduce_min3A_35, %mul3A_37 : i32
    %swap3A_39 = arith.index_cast %arg0 : i32 to index
    %swap3A_40 = memref.load %arg6[%swap3A_39] : memref<16xi32, #tpu.memory_space<smem>>
    memref.store %add3A_38, %arg6[%swap3A_39] : memref<16xi32, #tpu.memory_space<smem>>
    return
  }
  func.func @transform_0(%arg0: i32) -> (i32, i32) {
    %c0_i32 = arith.constant 0 : i32
    %c0_i32_0 = arith.constant 0 : i32
    return %arg0, %c0_i32 : i32, i32
  }
  func.func @transform_1(%arg0: i32) -> (i32, i32) {
    %c0_i32 = arith.constant 0 : i32
    %c0_i32_0 = arith.constant 0 : i32
    %c0_i32_1 = arith.constant 0 : i32
    return %c0_i32, %c0_i32_0 : i32, i32
  }
  func.func @transform_2(%arg0: i32) -> i32 {
    %c0_i32 = arith.constant 0 : i32
    %c0_i32_0 = arith.constant 0 : i32
    return %c0_i32 : i32
  }
  func.func @transform_3(%arg0: i32) -> i32 {
    %c0_i32 = arith.constant 0 : i32
    %c0_i32_0 = arith.constant 0 : i32
    return %c0_i32 : i32
  }
  func.func @transform_4(%arg0: i32) -> i32 {
    %c0_i32 = arith.constant 0 : i32
    %c0_i32_0 = arith.constant 0 : i32
    return %c0_i32 : i32
  }
  func.func @transform_5(%arg0: i32) -> i32 {
    %c0_i32 = arith.constant 0 : i32
    %c0_i32_0 = arith.constant 0 : i32
    return %c0_i32 : i32
  }
}

</mosaic_0001>

<sc_bundles>
// kernel: kernel.4.cloned.1.call-start
scs
__scs_entry_jumppad:
0x0: {  	(pc) =	sbr.rel $0x88, $3  }
0x1: {  	(tag) =	ssettag $0x0;
	lr =	simm.s32 $0x1  }
0x2: {  	[smem:$0x3F9F] =	sst lr;
	_ =	strace $0xD0000000  }
0x3: {  	_ = 	snop  }
0x4: {  	_ = 	snop  }
0x5: {  	_ = 	snop  }
0x6: {  	_ = 	snop  }
0x7: {  	_ = 	snop  }
__scs_overlays_trampoline_lowered:
0x8: {  	[smem:$0x3FAE] =	sst s0  }
0x9: {  	[smem:$0x3FAF] =	sst s1  }
0xa: {  	[smem:$0x3FB0] =	sst s2  }
0xb: {  	[smem:$0x3FB1] =	sst s3  }
0xc: {  	[smem:$0x3FB2] =	sst s4  }
0xd: {  	[smem:$0x3FB3] =	sst s5  }
0xe: {  	[smem:$0x3FB4] =	sst s6  }
0xf: {  	[smem:$0x3FB5] =	sst s7  }
0x10: {  	[smem:$0x3FB6] =	sst s8  }
0x11: {  	[smem:$0x3FB7] =	sst s9;
	s0 =	simm.s32 @!p0 $0x0  }
0x12: {  	s1 =	sld [smem:$0x3F9D];
	s0 =	simm.s32 @p0 $0x1  }
0x13: {  	[smem:$0x3FB8] =	sst s0;
	s0 =	simm.s32 @!p1 $0x0  }
0x14: {  	s2 =	sld [smem:$0x3F9C];
	s0 =	simm.s32 @p1 $0x1  }
0x15: {  	[smem:$0x3FB9] =	sst s0;
	s0 =	simm.s32 @!p2 $0x0  }
0x16: {  	s3 =	sld [smem:$0x3FDB];
	s0 =	simm.s32 @p2 $0x1  }
0x17: {  	s4 =	simm.s32 $0x1BF5;
	[smem:$0x3FBB] =	sst s0  }
0x18: {  	s0 =	sld [smem:$0x3F9E];
	_ =	swait.ge [sflag:s4], $0x0  }
0x19: {  	s7 =	sld [smem:$0x3F9F]  }
0x1a: {  	s8 =	sadd.s32 $0xFFFFE003, lr  }
0x1b: {  	s9 =	sadd.s32 $0xFFFFFEF7, lr;
	s5 =	simm.s32 $0xFFFFFFFF;
	p2 =	slt.u32 s8, $0xFFFFF086  }
0x1c: {  	p1 =	slt.u32 s9, $0xF7A;
	s5 =	simm.s32 @!p2 $0x0  }
0x1d: {  	s5 =	simm.s32 @p1 $0x1;
	p0 =	seq.s32 s7, s2  }
0x1e: {  	s7 =	smul.u32 @!p0 $0xF7A, s2;
	p2 =	seq.s32 @!p0 s5, $0x0  }
0x1f: {  	s9 =	smul.u32 $0xF7A, s1;
	s8 =	simm.s32 @!p0 $0x1BF5;
	p2 =	por !p2, p0  }
0x20: {  	[sflag:s8] =	ssyncset.s32 @!p0 $0xFFFFF086;
	s6 =	sadd.s32 @!p0 s3, s7;
	s7 =	simm.s32 @!p0 $0x108  }
0x21: {  	s3 =	sadd.s32 s3, s9;
	s6 =	sadd.s32 @!p0 $0x88, s6;
	s7 =	simm.s32 @p2 $0x1082  }
0x22: {  	[simem:s7], [sflag:s8] =	dma.local @!p0 [hbm:s6], $0xF7A  }
0x23: {  	s9 =	sor.u32 $0xD0000000, s2;
	s6 =	simm.s32 $0x108;
	_ =	swait.ge @!p0 [sflag:s8], $0x0  }
0x24: {  	s3 =	sadd.s32 $0x88, s3;
	s6 =	simm.s32 @!p1 $0x1082;
	[sflag:s4] =	ssyncset.s32 $0xFFFFF086  }
0x25: {  	[simem:s6], [sflag:s4] =	dma.local [hbm:s3], $0xF7A  }
0x26: {  	[smem:$0x3F9F] =	sst s1;
	(tag) =	ssettag s2;
	_ =	strace s9  }
0x27: {  	s1 =	sld [smem:$0x3FAF]  }
0x28: {  	s2 =	sld [smem:$0x3FB0]  }
0x29: {  	s4 =	sld [smem:$0x3FB2]  }
0x2a: {  	p0 =	seq.s32 s5, $0x0;
	s5 =	sld [smem:$0x3FB3]  }
0x2b: {  	s6 =	sld [smem:$0x3FB4]  }
0x2c: {  	s7 =	sld [smem:$0x3FB5]  }
0x2d: {  	s3 =	simm.s32 $0x108;
	s8 =	sld [smem:$0x3FB6]  }
0x2e: {  	s3 =	simm.s32 @!p0 $0x1082;
	s9 =	sld [smem:$0x3FB7]  }
0x2f: {  	lr =	sadd.s32 s0, s3;
	s0 =	sld [smem:$0x3FAE]  }
0x30: {  	s3 =	sld [smem:$0x3FB1]  }
0x31: {  	[smem:$0x3FBA] =	sst s10  }
0x32: {  	s10 =	sld [smem:$0x3FB8];
	_ =	sdelay $0x3  }
0x33: {  	p0 =	seq.s32 s10, $0x1;
	s10 =	sld [smem:$0x3FBA];
	_ =	sdelay $0x3  }
0x34: {  	[smem:$0x3FBA] =	sst s10  }
0x35: {  	s10 =	sld [smem:$0x3FB9];
	_ =	sdelay $0x3  }
0x36: {  	p1 =	seq.s32 s10, $0x1;
	s10 =	sld [smem:$0x3FBA];
	_ =	sdelay $0x3  }
0x37: {  	[smem:$0x3FBA] =	sst s10  }
0x38: {  	s10 =	sld [smem:$0x3FBB]  }
0x39: {  	_ = 	snop;
	(pc) =	sbr.ind lr, $3  }
0x3a: {  	_ = 	snop  }
0x3b: {  	_ = 	snop  }
0x3c: {  	p2 =	seq.s32 s10, $0x1;
	s10 =	sld [smem:$0x3FBA]  }
0x3d: {  	_ =	shalt  }
0x3e: {  	_ =	shalt  }
0x3f: {  	_ =	shalt  }
0x40: {  	_ =	shalt  }
0x41: {  	_ =	shalt  }
0x42: {  	_ =	shalt  }
0x43: {  	_ =	shalt  }
0x44: {  	_ =	shalt  }
0x45: {  	_ =	shalt  }
0x46: {  	_ =	shalt  }
0x47: {  	_ =	shalt  }
0x48: {  	_ =	shalt  }
0x49: {  	_ =	shalt  }
0x4a: {  	_ =	shalt  }
0x4b: {  	_ =	shalt  }
0x4c: {  	_ =	shalt  }
0x4d: {  	_ =	shalt  }
0x4e: {  	_ =	shalt  }
0x4f: {  	_ =	shalt  }
0x50: {  	_ =	shalt  }
0x51: {  	_ =	shalt  }
0x52: {  	_ =	shalt  }
0x53: {  	_ =	shalt  }
0x54: {  	_ =	shalt  }
0x55: {  	_ =	shalt  }
0x56: {  	_ =	shalt  }
0x57: {  	_ =	shalt  }
0x58: {  	_ =	shalt  }
0x59: {  	_ =	shalt  }
0x5a: {  	_ =	shalt  }
0x5b: {  	_ =	shalt  }
0x5c: {  	_ =	shalt  }
0x5d: {  	_ =	shalt  }
0x5e: {  	_ =	shalt  }
0x5f: {  	_ =	shalt  }
0x60: {  	_ =	shalt  }
0x61: {  	_ =	shalt  }
0x62: {  	_ =	shalt  }
0x63: {  	_ =	shalt  }
0x64: {  	_ =	shalt  }
0x65: {  	_ =	shalt  }
0x66: {  	_ =	shalt  }
0x67: {  	_ =	shalt  }
0x68: {  	_ =	shalt  }
0x69: {  	_ =	shalt  }
0x6a: {  	_ =	shalt  }
0x6b: {  	_ =	shalt  }
0x6c: {  	_ =	shalt  }
0x6d: {  	_ =	shalt  }
0x6e: {  	_ =	shalt  }
0x6f: {  	_ =	shalt  }
0x70: {  	_ =	shalt  }
0x71: {  	_ =	shalt  }
0x72: {  	_ =	shalt  }
0x73: {  	_ =	shalt  }
0x74: {  	_ =	shalt  }
0x75: {  	_ =	shalt  }
0x76: {  	_ =	shalt  }
0x77: {  	_ =	shalt  }
0x78: {  	_ =	shalt  }
0x79: {  	_ =	shalt  }
0x7a: {  	_ =	shalt  }
0x7b: {  	_ =	shalt  }
0x7c: {  	_ =	shalt  }
0x7d: {  	_ =	shalt  }
0x7e: {  	_ =	shalt  }
0x7f: {  	_ =	shalt  }
0x80: {  	_ =	shalt  }
0x81: {  	_ =	shalt  }
0x82: {  	_ =	shalt  }
0x83: {  	_ =	shalt  }
0x84: {  	_ =	shalt  }
0x85: {  	_ =	shalt  }
0x86: {  	_ =	shalt  }
0x87: {  	_ =	shalt  }
.Lfunc_end0:
.L_simem_size_0:
called_computation_lowered:
.L_overlay_start_0:
0x88: {  	s2 =	sld [smem:$0x3FD9]  }
0x89: {  	s3 =	sld [smem:$0x3FFE];
	_ =	sdelay $0x1  }
0x8a: {  	s1 =	srdreg.scid  }
0x8b: {  	s0 =	sand.u32 $0x1, s1  }
0x8c: {  	s17 =	sshll.u32 s0, $0xA;
	s2 =	sadd.s32 s3, s2  }
0x8d: {  	s2 =	sadd.s32 s2, s17  }
0x8e: {  	[smem:$0x3FC6] =	sst s2  }
0x8f: {  	_ = 	snop  }
0x90: {  	s2 =	sld [smem:$0x3FC9]  }
0x91: {  	s18 =	sld [smem:$0x3FD0];
	(tm) =	ssettm $0x1  }
0x92: {  	s4 =	sld [smem:$0x3FFB];
	_ =	sdelay $0x3  }
0x93: {  	_ =	strace s4  }
0x94: {  	s4 =	sld [smem:$0x3FFC];
	_ =	sdelay $0x3  }
0x95: {  	_ =	strace s4  }
0x96: {  	s4 =	sld [smem:$0x3FFD];
	_ =	sdelay $0x3  }
0x97: {  	_ =	strace s4  }
0x98: {  	_ =	strace $0x8FFFFFFF  }
0x99: {  	s19 =	sld [smem:$0x3FDB];
	_ =	sdelay $0x1  }
0x9a: {  	s5 =	simm.s32 $_scs_section_size  }
0x9b: {  	s6 =	simm.s32 $_size__tile_overlayer_lowered;
	s7 =	simm.s32 $_tile_overlayer_lowered  }
0x9c: {  	s22 =	simm.s32 $0x1BFF;
	s21 =	sshll.u32 s7, $0x1;
	s4 =	sadd.s32 s5, s19  }
0x9d: {  	s8 =	simm.s32 $0x0;
	s20 =	sshll.u32 s6, $0x1;
	s6 =	sadd.s32 s21, s4  }
0x9e: {  	[timem:s8], [sflag:s22] =	dma.local [hbm:s6], s20  }
0x9f: {  	_ =	swait.ge [sflag:s22], s20  }
0xa0: {  	s5 =	ssub.s32 $0x0, s20;
	[sflag:s22] =	ssyncset.done $0x0  }
0xa1: {  	[sflag:s22] =	ssyncadd.s32 s5;
	_ =	sdelay $0x1  }
0xa2: {  	s23 =	simm.s32 $0x1B8B  }
0xa3: {  	_ =	swait.ge [sflag:s23], $0x1  }
0xa4: {  	[sflag:s23] =	ssyncset.done $0x0  }
0xa5: {  	s25 =	simm.s32 $0x1B8E;
	s24 =	sld [smem:$0x3FFE];
	[sflag:s23] =	ssyncadd.s32 $0xFFFFFFFF  }
0xa6: {  	s26 =	simm.s32 $execute0_lowered;
	[smem:$0x3FD2] =	sst s25  }
0xa7: {  	s6 =	sshll.u32 s26, $0x1;
	_ =	strace $0x80000046;
	[dreg:$0x1] =	wrdreg $0xFFFFFFFF  }
0xa8: {  	s28 =	simm.s32 $_size_execute0_lowered;
	s4 =	sadd.s32 s4, s6;
	[dreg:$0x0] =	wrdreg $0x0  }
0xa9: {  	s6 =	sshll.u32 s28, $0x1;
	[dreg:$0x2] =	wrdreg s4  }
0xaa: {  	[dreg:$0x3] =	wrdreg s6  }
0xab: {  	[dreg:$0x4] =	wrdreg $0xC0  }
0xac: {  	_ =	task [dreg:s8], $0x5FFFF  }
0xad: {  	[dreg:$0x1] =	wrdreg $0xFFFFFFFF  }
0xae: {  	[dreg:$0x0] =	wrdreg $0x60  }
0xaf: {  	[dreg:$0x2] =	wrdreg s24  }
0xb0: {  	[dreg:$0x3] =	wrdreg s2  }
0xb1: {  	[dreg:$0x4] =	wrdreg s18  }
0xb2: {  	[dreg:$0x5] =	wrdreg $0x9  }
0xb3: {  	_ =	task.clear_ibuf [dreg:s8], $0x6FFFF;
	_ =	strace $0x90000046  }
0xb4: {  	s29 =	simm.s32 $0x9;
	_ =	strace $0x80000048  }
0xb5: {  	_ =	swait.ge [sflag:s29], $0x1  }
0xb6: {  	[sflag:s29] =	ssyncadd.s32 $0xFFFFFFFF  }
0xb7: {  	_ =	strace $0x90000048  }
0xb8: {  	_ =	sfence  }
0xb9: {  	s30 =	sld [smem:$0x0];
	_ =	sdelay $0x2  }
0xba: {  	s31 =	sshll.u32 s1, $0xD;
	s1 =	sshrl.u32 s1, $0x2  }
0xbb: {  	s3 =	sand.u32 $0x4000, s31;
	s1 =	sadd.s32 s1, s30  }
0xbc: {  	s0 =	sor.u32 s3, s0;
	s1 =	sshll.u32 s1, $0x11  }
0xbd: {  	s0 =	sor.u32 s1, s0  }
0xbe: {  	s0 =	sadd.s32 $0x8F2B, s0  }
0xbf: {  	[sflag:s0] =	ssyncadd.remote.s32 $0x1  }
0xc0: {  	_ =	sfence.sel $0xFFFF  }
0xc1: {  	[dreg:$0x0] =	wrdreg $0xFFFFFFFF;
	(pc) =	sbr.abs _section_cstart, $3  }
0xc2: {  	[dreg:$0x1] =	wrdreg $0xFFFFFFFF  }
0xc3: {  	_ =	task.clear_ibuf [dreg:s8], $0x2FFFF;
	_ =	strace $0x9FFFFFFF  }
0xc4: {  	(tm) =	ssettm $0x7FFFFFFF  }
0xc5: {  	_ =	shalt  }
tec
execute0_lowered:
.L_overlay_start_1:
0x0: {  	(tag) =	ssettag $0x1  }
0x1: {  	s0 =	srdreg.scid  }
0x2: {  	s13 =	sand.u32 $0x1, s0;
	s0 =	stileid.u32  }
0x3: {  	s4 =	sor.u32 s0, s13  }
0x4: {  	p0 =	sne.s32 s4, $0x0  }
.Ltmp0:
0x5: {  	_ = 	snop;
	(pc) =	sbr.rel @p0 .LBB2_4-.Ltmp0, $4  }
0x6: {  	s11 =	rddreg [dreg:$0x0]  }
0x7: {  	s3 =	rddreg [dreg:$0x1]  }
0x8: {  	s2 =	rddreg [dreg:$0x2]  }
0x9: {  	s1 =	rddreg [dreg:$0x3];
	_ =	strace $0x80000047  }
0xa: {  	s6 =	sadd.s32 $0xE00, s11;
	s5 =	simm.s32 $0x0;
	s4 =	simm.s32 $0x2  }
0xb: {  	[tilespmem:s5], [sflag:$0x2] =	stream.linear.gather [hbm4b:s6+s5], $0x80, $0x38;
	[tilespmem:$0x2280] =	vst v63  }
0xc: {  	_ =	swait.ge [sflag:s4], $0x80  }
0xd: {  	[sflag:s4] =	ssyncset.done $0x0  }
0xe: {  	s7 =	sadd.s32 $0x1000, s11;
	s8 =	simm.s32 $0x80;
	[sflag:s4] =	ssyncadd.s32 $0xFFFFFF80  }
0xf: {  	[tilespmem:s8], [sflag:$0x2] =	stream.linear.gather [hbm4b:s7+s5], $0x80, $0x38;
	[tilespmem:$0x2280] =	vst v63  }
0x10: {  	_ =	swait.ge [sflag:s4], $0x80  }
0x11: {  	[sflag:s4] =	ssyncset.done $0x0  }
0x12: {  	s9 =	sadd.s32 $0x1200, s11;
	s10 =	simm.s32 $0x100;
	v0 =	vimm.s32 $0xFEDCBA98;
	[sflag:s4] =	ssyncadd.s32 $0xFFFFFF80  }
0x13: {  	v1 =	vimm.s32 $0x76543210;
	v0 =	vunpack.c.l.s4.s8 v0;
	[tilespmem:s10], [sflag:$0x2] =	stream.linear.gather [hbm4b:s9+s5], $0x80, $0x38;
	[tilespmem:$0x2280] =	vst v63  }
0x14: {  	v1 =	vunpack.c.l.s4.s8 v1;
	_ =	swait.ge [sflag:s4], $0x80  }
0x15: {  	v0 =	vunpack.c.0.s8.s32 v0;
	[sflag:s4] =	ssyncset.done $0x0  }
0x16: {  	s11 =	sadd.s32 $0x1400, s11;
	s12 =	simm.s32 $0x180;
	v1 =	vunpack.c.0.s8.s32 v1;
	[sflag:s4] =	ssyncadd.s32 $0xFFFFFF80  }
0x17: {  	v0 =	vand.u32 $0xF, v0;
	[tilespmem:s12], [sflag:$0x2] =	stream.linear.gather [hbm4b:s11+s5], $0x80, $0x38;
	[tilespmem:$0x2280] =	vst v63  }
0x18: {  	v0 =	vcombine.low v0, v1;
	_ =	swait.ge [sflag:s4], $0x80  }
0x19: {  	[sflag:s4] =	ssyncset.done $0x0  }
0x1a: {  	[sflag:s4] =	ssyncadd.s32 $0xFFFFFF80  }
0x1b: {  	v2 =	vld [tilespmem:$0x100]  }
0x1c: {  	v3 =	vld [tilespmem:$0x80]  }
0x1d: {  	v4 =	vld [tilespmem:$0x180]  }
0x1e: {  	v5 =	vld.idx.msk [tilespmem:v0+s10+$0x0], $0xffff  }
0x1f: {  	v6 =	vimm.s32 $0x32107654;
	v1 =	vimm.s32 $0xBA98FEDC;
	v7 =	vld.idx.msk [tilespmem:v0+s12+$0x0], $0xffff  }
0x20: {  	v6 =	vunpack.c.l.s4.s8 v6;
	v1 =	vunpack.c.l.s4.s8 v1;
	v8 =	vld.idx.msk [tilespmem:v0+s8+$0x0], $0xffff  }
0x21: {  	v9 =	vld.idx.msk [tilespmem:v0+s5+$0x0], $0xffff  }
0x22: {  	v6 =	vunpack.c.0.s8.s32 v6;
	v1 =	vunpack.c.0.s8.s32 v1;
	v10 =	vld [tilespmem:$0x0];
	_ =	sdelay $0x1  }
0x23: {  	v1 =	vcombine.low v6, v1  }
0x24: {  	vm0 =	veq.f32 v5, v2;
	vm1 =	vlt.s32 v7, v4  }
0x25: {  	v1 =	vand.u32 $0xF, v1;
	vm2 =	vlt.f32 v5, v2;
	vm0 =	vmand vm0, vm1  }
0x26: {  	vm3 =	veq.f32 v9, v10;
	vm1 =	vlt.s32 v8, v3;
	vm0 =	vmor vm2, vm0  }
0x27: {  	vm2 =	vgt.f32 v9, v10;
	vm1 =	vmand vm3, vm1;
	v5 =	vsel vm0, v5, v2  }
0x28: {  	vm1 =	vmor vm2, vm1;
	v4 =	vsel vm0, v7, v4;
	[tilespmem:$0x100] =	vst v5  }
0x29: {  	v6 =	vsel vm1, v9, v10;
	[tilespmem:$0x180] =	vst v4  }
0x2a: {  	v3 =	vsel vm1, v8, v3;
	[tilespmem:$0x0] =	vst v6  }
0x2b: {  	[tilespmem:$0x80] =	vst v3  }
0x2c: {  	v2 =	vimm.s32 $0xDCFE98BA;
	v7 =	vimm.s32 $0x54761032;
	v8 =	vld.idx.msk [tilespmem:v1+s5+$0x0], $0xffff  }
0x2d: {  	v2 =	vunpack.c.l.s4.s8 v2;
	v7 =	vunpack.c.l.s4.s8 v7;
	v9 =	vld.idx.msk [tilespmem:v1+s8+$0x0], $0xffff  }
0x2e: {  	v10 =	vld.idx.msk [tilespmem:v1+s10+$0x0], $0xffff  }
0x2f: {  	v2 =	vunpack.c.0.s8.s32 v2;
	v7 =	vunpack.c.0.s8.s32 v7;
	v11 =	vld.idx.msk [tilespmem:v1+s12+$0x0], $0xffff;
	_ =	sdelay $0x1  }
0x30: {  	v2 =	vcombine.low v7, v2  }
0x31: {  	vm0 =	veq.f32 v8, v6;
	vm1 =	vlt.s32 v9, v3  }
0x32: {  	v2 =	vand.u32 $0xF, v2;
	vm2 =	vgt.f32 v8, v6;
	vm0 =	vmand vm0, vm1  }
0x33: {  	vm1 =	veq.f32 v10, v5;
	vm0 =	vmor vm2, vm0;
	vm2 =	vlt.s32 v11, v4  }
0x34: {  	vm3 =	vlt.f32 v10, v5;
	v6 =	vsel vm0, v8, v6;
	vm1 =	vmand vm1, vm2  }
0x35: {  	v7 =	vsel vm0, v9, v3;
	vm0 =	vmor vm3, vm1;
	[tilespmem:$0x0] =	vst v6  }
0x36: {  	[tilespmem:$0x80] =	vst v7;
	v5 =	vsel vm0, v10, v5  }
0x37: {  	v4 =	vsel vm0, v11, v4;
	[tilespmem:$0x100] =	vst v5  }
0x38: {  	[tilespmem:$0x180] =	vst v4  }
0x39: {  	v3 =	vimm.s32 $0xEFCDAB89;
	v8 =	vimm.s32 $0x67452301;
	v9 =	vld.idx.msk [tilespmem:v2+s5+$0x0], $0xffff  }
0x3a: {  	v3 =	vunpack.c.l.s4.s8 v3;
	v8 =	vunpack.c.l.s4.s8 v8;
	v10 =	vld.idx.msk [tilespmem:v2+s8+$0x0], $0xffff  }
0x3b: {  	v11 =	vld.idx.msk [tilespmem:v2+s10+$0x0], $0xffff  }
0x3c: {  	v3 =	vunpack.c.0.s8.s32 v3;
	v8 =	vunpack.c.0.s8.s32 v8;
	v12 =	vld.idx.msk [tilespmem:v2+s12+$0x0], $0xffff;
	_ =	sdelay $0x1  }
0x3d: {  	v3 =	vcombine.low v8, v3  }
0x3e: {  	vm0 =	veq.f32 v9, v6;
	vm1 =	vlt.s32 v10, v7  }
0x3f: {  	v3 =	vand.u32 $0xF, v3;
	vm2 =	vgt.f32 v9, v6;
	vm0 =	vmand vm0, vm1  }
0x40: {  	vm1 =	veq.f32 v11, v5;
	vm0 =	vmor vm2, vm0;
	vm2 =	vlt.s32 v12, v4  }
0x41: {  	vm3 =	vlt.f32 v11, v5;
	v6 =	vsel vm0, v9, v6;
	vm1 =	vmand vm1, vm2  }
0x42: {  	v7 =	vsel vm0, v10, v7;
	vm0 =	vmor vm3, vm1;
	[tilespmem:$0x0] =	vst v6  }
0x43: {  	[tilespmem:$0x80] =	vst v7;
	v4 =	vsel vm0, v12, v4  }
0x44: {  	v5 =	vsel vm0, v11, v5;
	[tilespmem:$0x180] =	vst v4  }
0x45: {  	[tilespmem:$0x100] =	vst v5  }
0x46: {  	v8 =	vld.idx.msk [tilespmem:v3+s5+$0x0], $0xffff  }
0x47: {  	v9 =	vld.idx.msk [tilespmem:v3+s12+$0x0], $0xffff  }
0x48: {  	v10 =	vld.idx.msk [tilespmem:v3+s10+$0x0], $0xffff  }
0x49: {  	v11 =	vld.idx.msk [tilespmem:v3+s8+$0x0], $0xffff;
	_ =	sdelay $0x3  }
0x4a: {  	vm0 =	veq.f32 v8, v6;
	vm1 =	vlt.s32 v9, v4;
	vm2 =	veq.f32 v10, v5  }
0x4b: {  	vm3 =	vlt.s32 v11, v7;
	vm4 =	vlt.f32 v10, v5;
	vm1 =	vmand vm2, vm1  }
0x4c: {  	vm2 =	vgt.f32 v8, v6;
	vm3 =	vmand vm0, vm3;
	vm1 =	vmor vm4, vm1  }
0x4d: {  	vm0 =	vcmask $0x3F08;
	vm2 =	vmor vm2, vm3;
	v4 =	vsel vm1, v9, v4  }
0x4e: {  	vm1 =	vmmov $0x1;
	v5 =	vsel vm2, v11, v7;
	v4 =	vsel vm0, $0x0, v4  }
0x4f: {  	v8 =	vsel vm1, v5, v4  }
0x50: {  	v4 =	vshll.u32 v8, $0x2  }
0x51: {  	v6 =	vlaneseq.u32;
	v5 =	vand.u32 $0x7, v8;
	v7 =	vand.u32 $0xFFFFFFE0, v4  }
0x52: {  	s13 =	ssub.s32 $0x2, s13;
	v9 =	vshrl.u32 v6, $0x3;
	v4 =	vand.u32 $0x7, v6;
	v10 =	vor.u32 v5, v7  }
0x53: {  	s14 =	sshrl.u32 s13, $0x1;
	v5 =	vmul.u32 $0x8, v9;
	v7 =	vperm.xlane v10, v4  }
0x54: {  	s24 =	ssub.s32 s13, s14  }
0x55: {  	s16 =	sadd.s32 $0x100, s3;
	p0 =	sne.s32 s24, $0x1;
	v7 =	vadd.s32 v5, v7  }
.Ltmp1:
0x56: {  	s15 =	sadd.s32 $0x60, s2;
	s18 =	simm.s32 $0x280;
	v6 =	vor.u32 $0x8, v6;
	(pc) =	sbr.rel @!p0 .LBB2_3-.Ltmp1, $4  }
0x57: {  	s17 =	simm.s32 $0xA80;
	s19 =	simm.s32 $0x1280;
	s23 =	simm.s32 $0x1A80;
	[tilespmem:$0x200] =	vst v8;
	v8 =	vperm.xlane v10, v6  }
0x58: {  	s21 =	simm.s32 $0x1;
	s22 =	simm.s32 $0x680;
	s20 =	simm.s32 $0xE80  }
0x59: {  	s13 =	sadd.s32 $0x20, s2;
	s14 =	sadd.s32 $0x40, s2;
	s24 =	sadd.s32 $0xFFFFFFFF, s24;
	vm2 =	vmmov $0xffff;
	v8 =	vadd.s32 v5, v8  }
0x5a: {  	[tilespmem:s18], [sflag:$0x1] =	stream.indirect_vreg.gather [hbm4b:s3+s5], $0x80, v7, vm2, $0xb8;
	[tilespmem:$0x2280] =	vst v63  }
.LBB2_2:
0x5b: {  	p0 =	sne.s32 s24, $0x1;
	s24 =	sadd.s32 $0xFFFFFFFF, s24  }
0x5c: {  	[tilespmem:s17], [sflag:$0x1] =	stream.indirect_vreg.gather [hbm4b:s16+s5], $0x80, v7, vm2, $0xb8;
	[tilespmem:$0x2280] =	vst v63  }
0x5d: {  	_ = 	snop  }
0x5e: {  	[tilespmem:s19], [sflag:$0x1] =	stream.indirect_vreg.gather [hbm4b:s3+s5], $0x80, v8, vm2, $0xb8;
	[tilespmem:$0x2280] =	vst v63  }
0x5f: {  	_ = 	snop  }
0x60: {  	[tilespmem:s23], [sflag:$0x1] =	stream.indirect_vreg.gather [hbm4b:s16+s5], $0x80, v8, vm2, $0xb8;
	[tilespmem:$0x2280] =	vst v63  }
0x61: {  	_ =	swait.ge [sflag:s21], $0x2000  }
0x62: {  	[sflag:s21] =	ssyncset.done $0x0  }
0x63: {  	[sflag:s21] =	ssyncadd.s32 $0xFFFFE000  }
0x64: {  	[hbm4b:s2+s5] =	stream.linear.scatter [tilespmem:s18], [sflag:$0x2], $0x100, $0x38;
	[tilespmem:$0x2280] =	vst v63  }
0x65: {  	_ = 	snop  }
0x66: {  	[hbm4b:s13+s5] =	stream.linear.scatter [tilespmem:s22], [sflag:$0x2], $0x100, $0x38;
	[tilespmem:$0x2280] =	vst v63  }
0x67: {  	_ = 	snop  }
0x68: {  	[hbm4b:s14+s5] =	stream.linear.scatter [tilespmem:s17], [sflag:$0x2], $0x100, $0x38;
	[tilespmem:$0x2280] =	vst v63  }
0x69: {  	_ = 	snop  }
0x6a: {  	[hbm4b:s15+s5] =	stream.linear.scatter [tilespmem:s20], [sflag:$0x2], $0x100, $0x38;
	[tilespmem:$0x2280] =	vst v63  }
0x6b: {  	_ =	swait.ge [sflag:s4], $0x400  }
0x6c: {  	[sflag:s4] =	ssyncset.done $0x0  }
0x6d: {  	[sflag:s4] =	ssyncadd.s32 $0xFFFFFC00  }
0x6e: {  	[tilespmem:s5], [sflag:$0x2] =	stream.linear.gather [hbm4b:s6+s5], $0x80, $0x38;
	[tilespmem:$0x2280] =	vst v63  }
0x6f: {  	_ =	swait.ge [sflag:s4], $0x80  }
0x70: {  	[sflag:s4] =	ssyncset.done $0x0  }
0x71: {  	[sflag:s4] =	ssyncadd.s32 $0xFFFFFF80  }
0x72: {  	[tilespmem:s8], [sflag:$0x2] =	stream.linear.gather [hbm4b:s7+s5], $0x80, $0x38;
	[tilespmem:$0x2280] =	vst v63  }
0x73: {  	_ =	swait.ge [sflag:s4], $0x80  }
0x74: {  	[sflag:s4] =	ssyncset.done $0x0  }
0x75: {  	[sflag:s4] =	ssyncadd.s32 $0xFFFFFF80  }
0x76: {  	[tilespmem:s10], [sflag:$0x2] =	stream.linear.gather [hbm4b:s9+s5], $0x80, $0x38;
	[tilespmem:$0x2280] =	vst v63  }
0x77: {  	_ =	swait.ge [sflag:s4], $0x80  }
0x78: {  	[sflag:s4] =	ssyncset.done $0x0  }
0x79: {  	[sflag:s4] =	ssyncadd.s32 $0xFFFFFF80  }
0x7a: {  	[tilespmem:s12], [sflag:$0x2] =	stream.linear.gather [hbm4b:s11+s5], $0x80, $0x38;
	[tilespmem:$0x2280] =	vst v63  }
0x7b: {  	_ =	swait.ge [sflag:s4], $0x80  }
0x7c: {  	[sflag:s4] =	ssyncset.done $0x0  }
0x7d: {  	[sflag:s4] =	ssyncadd.s32 $0xFFFFFF80  }
0x7e: {  	v7 =	vld [tilespmem:$0x100]  }
0x7f: {  	v8 =	vld [tilespmem:$0x80]  }
0x80: {  	v9 =	vld [tilespmem:$0x180]  }
0x81: {  	v10 =	vld.idx.msk [tilespmem:v0+s10+$0x0], $0xffff  }
0x82: {  	v11 =	vld.idx.msk [tilespmem:v0+s12+$0x0], $0xffff  }
0x83: {  	v12 =	vld.idx.msk [tilespmem:v0+s8+$0x0], $0xffff  }
0x84: {  	v13 =	vld.idx.msk [tilespmem:v0+s5+$0x0], $0xffff  }
0x85: {  	v14 =	vld [tilespmem:$0x0];
	_ =	sdelay $0x1  }
0x86: {  	vm3 =	vlt.f32 v10, v7;
	vm4 =	veq.f32 v10, v7  }
0x87: {  	vm5 =	vlt.s32 v11, v9  }
0x88: {  	vm6 =	vlt.s32 v12, v8;
	vm4 =	vmand vm4, vm5  }
0x89: {  	vm3 =	vmor vm3, vm4;
	vm5 =	veq.f32 v13, v14  }
0x8a: {  	vm4 =	vgt.f32 v13, v14;
	v7 =	vsel vm3, v10, v7;
	vm5 =	vmand vm5, vm6  }
0x8b: {  	v9 =	vsel vm3, v11, v9;
	vm4 =	vmor vm4, vm5;
	[tilespmem:$0x100] =	vst v7  }
0x8c: {  	v10 =	vsel vm4, v13, v14;
	v8 =	vsel vm4, v12, v8;
	[tilespmem:$0x180] =	vst v9  }
0x8d: {  	[tilespmem:$0x0] =	vst v10  }
0x8e: {  	[tilespmem:$0x80] =	vst v8  }
0x8f: {  	v11 =	vld.idx.msk [tilespmem:v1+s5+$0x0], $0xffff  }
0x90: {  	v12 =	vld.idx.msk [tilespmem:v1+s8+$0x0], $0xffff  }
0x91: {  	v13 =	vld.idx.msk [tilespmem:v1+s10+$0x0], $0xffff  }
0x92: {  	v14 =	vld.idx.msk [tilespmem:v1+s12+$0x0], $0xffff;
	_ =	sdelay $0x2  }
0x93: {  	vm3 =	vgt.f32 v11, v10;
	vm4 =	veq.f32 v11, v10  }
0x94: {  	vm5 =	vlt.s32 v12, v8  }
0x95: {  	vm4 =	vmand vm4, vm5;
	vm5 =	vlt.f32 v13, v7;
	vm6 =	veq.f32 v13, v7  }
0x96: {  	vm3 =	vmor vm3, vm4;
	vm4 =	vlt.s32 v14, v9  }
0x97: {  	v10 =	vsel vm3, v11, v10;
	v8 =	vsel vm3, v12, v8;
	vm3 =	vmand vm6, vm4  }
0x98: {  	vm3 =	vmor vm5, vm3;
	[tilespmem:$0x0] =	vst v10  }
0x99: {  	v7 =	vsel vm3, v13, v7;
	v9 =	vsel vm3, v14, v9;
	[tilespmem:$0x80] =	vst v8  }
0x9a: {  	[tilespmem:$0x100] =	vst v7  }
0x9b: {  	[tilespmem:$0x180] =	vst v9  }
0x9c: {  	v11 =	vld.idx.msk [tilespmem:v2+s5+$0x0], $0xffff  }
0x9d: {  	v12 =	vld.idx.msk [tilespmem:v2+s8+$0x0], $0xffff  }
0x9e: {  	v13 =	vld.idx.msk [tilespmem:v2+s10+$0x0], $0xffff  }
0x9f: {  	v14 =	vld.idx.msk [tilespmem:v2+s12+$0x0], $0xffff;
	_ =	sdelay $0x2  }
0xa0: {  	vm3 =	vgt.f32 v11, v10;
	vm4 =	veq.f32 v11, v10  }
0xa1: {  	vm5 =	vlt.s32 v12, v8  }
0xa2: {  	vm4 =	vmand vm4, vm5;
	vm5 =	vlt.f32 v13, v7;
	vm6 =	veq.f32 v13, v7  }
0xa3: {  	vm3 =	vmor vm3, vm4;
	vm4 =	vlt.s32 v14, v9  }
0xa4: {  	v10 =	vsel vm3, v11, v10;
	v8 =	vsel vm3, v12, v8;
	vm3 =	vmand vm6, vm4  }
0xa5: {  	vm3 =	vmor vm5, vm3;
	[tilespmem:$0x0] =	vst v10  }
0xa6: {  	v7 =	vsel vm3, v13, v7;
	v9 =	vsel vm3, v14, v9;
	[tilespmem:$0x80] =	vst v8  }
0xa7: {  	[tilespmem:$0x180] =	vst v9  }
0xa8: {  	[tilespmem:$0x100] =	vst v7  }
0xa9: {  	v11 =	vld.idx.msk [tilespmem:v3+s5+$0x0], $0xffff  }
0xaa: {  	v12 =	vld.idx.msk [tilespmem:v3+s8+$0x0], $0xffff  }
0xab: {  	v13 =	vld.idx.msk [tilespmem:v3+s12+$0x0], $0xffff  }
0xac: {  	v14 =	vld.idx.msk [tilespmem:v3+s10+$0x0], $0xffff;
	_ =	sdelay $0x2  }
0xad: {  	vm3 =	vgt.f32 v11, v10  }
0xae: {  	vm4 =	veq.f32 v11, v10;
	vm5 =	vlt.s32 v12, v8  }
0xaf: {  	vm4 =	vmand vm4, vm5;
	vm5 =	vlt.s32 v13, v9  }
0xb0: {  	vm3 =	vmor vm3, vm4;
	vm4 =	vlt.f32 v14, v7;
	vm6 =	veq.f32 v14, v7  }
0xb1: {  	v7 =	vsel vm3, v12, v8;
	vm3 =	vmand vm6, vm5  }
0xb2: {  	vm3 =	vmor vm4, vm3  }
0xb3: {  	v8 =	vsel vm3, v13, v9  }
0xb4: {  	v8 =	vsel vm0, $0x0, v8  }
0xb5: {  	v7 =	vsel vm1, v7, v8  }
0xb6: {  	v8 =	vand.u32 $0x7, v7;
	[tilespmem:$0x200] =	vst v7;
	v7 =	vshll.u32 v7, $0x2  }
0xb7: {  	v7 =	vand.u32 $0xFFFFFFE0, v7  }
0xb8: {  	v7 =	vor.u32 v8, v7  }
0xb9: {  	v8 =	vperm.xlane v7, v4;
	v9 =	vperm.xlane v7, v6;
	_ =	sdelay $0x1  }
0xba: {  	v7 =	vadd.s32 v5, v8  }
.Ltmp2:
0xbb: {  	(pc) =	sbr.rel @p0 .LBB2_2-.Ltmp2, $3  }
0xbc: {  	_ = 	snop  }
0xbd: {  	v8 =	vadd.s32 v5, v9;
	_ =	sdelay $0x1  }
0xbe: {  	[tilespmem:s18], [sflag:$0x1] =	stream.indirect_vreg.gather [hbm4b:s3+s5], $0x80, v7, vm2, $0xb8;
	[tilespmem:$0x2280] =	vst v63  }
.LBB2_3:
0xbf: {  	_ =	sdelay $0x3  }
0xc0: {  	[tilespmem:s17], [sflag:$0x1] =	stream.indirect_vreg.gather [hbm4b:s16+s5], $0x80, v7, vm2, $0xb8;
	[tilespmem:$0x2280] =	vst v63  }
0xc1: {  	_ = 	snop  }
0xc2: {  	[tilespmem:s19], [sflag:$0x1] =	stream.indirect_vreg.gather [hbm4b:s3+s5], $0x80, v8, vm2, $0xb8;
	[tilespmem:$0x2280] =	vst v63  }
0xc3: {  	_ = 	snop  }
0xc4: {  	[tilespmem:s23], [sflag:$0x1] =	stream.indirect_vreg.gather [hbm4b:s16+s5], $0x80, v8, vm2, $0xb8;
	[tilespmem:$0x2280] =	vst v63  }
0xc5: {  	_ =	swait.ge [sflag:s21], $0x2000  }
0xc6: {  	[sflag:s21] =	ssyncset.done $0x0  }
0xc7: {  	[sflag:s21] =	ssyncadd.s32 $0xFFFFE000  }
0xc8: {  	[hbm4b:s2+s5] =	stream.linear.scatter [tilespmem:s18], [sflag:$0x2], $0x100, $0x38;
	[tilespmem:$0x2280] =	vst v63  }
0xc9: {  	_ = 	snop  }
0xca: {  	[hbm4b:s13+s5] =	stream.linear.scatter [tilespmem:s22], [sflag:$0x2], $0x100, $0x38;
	[tilespmem:$0x2280] =	vst v63  }
0xcb: {  	_ = 	snop  }
0xcc: {  	[hbm4b:s14+s5] =	stream.linear.scatter [tilespmem:s17], [sflag:$0x2], $0x100, $0x38;
	[tilespmem:$0x2280] =	vst v63  }
0xcd: {  	_ = 	snop  }
0xce: {  	[hbm4b:s15+s5] =	stream.linear.scatter [tilespmem:s20], [sflag:$0x2], $0x100, $0x38;
	[tilespmem:$0x2280] =	vst v63  }
0xcf: {  	_ =	swait.ge [sflag:s4], $0x400  }
0xd0: {  	[sflag:s4] =	ssyncset.done $0x0  }
0xd1: {  	[sflag:s4] =	ssyncadd.s32 $0xFFFFFC00  }
.LBB2_4:
0xd2: {  	_ =	sfence.sel $0x180000  }
0xd3: {  	[bflag:$0x0] =	sbarrier.arrive $0xFFFF  }
0xd4: {  	p0 =	sne.s32 s0, $0x0;
	_ =	strace $0x90000047  }
0xd5: {  	s0 =	sadd.s32 @!p0 $0x100000, s1;
	[bflag:$0x2] =	sbarrier.arrive $0xFFFF  }
0xd6: {  	[sflag:s0] =	ssyncadd.tile.s32 @!p0 $0x1;
	_ =	shalt  }
.Lfunc_end2:
_tile_overlayer_lowered:
.L_overlay_start_2:
0xd7: {  	(tag) =	ssettag $0x2  }
0xd8: {  	s0 =	rddreg [dreg:$0x0];
	s2 =	stileid.u32  }
0xd9: {  	s1 =	rddreg [dreg:$0x1];
	p0 =	sne.s32 s2, $0x0  }
0xda: {  	s3 =	rddreg [dreg:$0x2];
	[bflag:$0x3] =	sbarrier.arrive $0xFFFF;
	s2 =	simm.s32 @!p0 $0x1C02  }
0xdb: {  	[timem:s3], [sflag:s2] =	dma.local @!p0 [hbm:s0], s1  }
0xdc: {  	s0 =	simm.s32 @!p0 $0x2  }
0xdd: {  	_ =	swait.ge @!p0 [sflag:s0], s1  }
0xde: {  	s1 =	ssub.s32 @!p0 $0x0, s1;
	[sflag:s0] =	ssyncset.done @!p0 $0x0  }
0xdf: {  	[sflag:s0] =	ssyncadd.s32 @!p0 s1  }
0xe0: {  	[bflag:$0x3] =	sbarrier.arrive $0xFFFF  }
0xe1: {  	_ =	shalt  }

</sc_bundles>
